<compile_context>
chip_gen: v7x
topology: tpu7x:2x2x1
jax: 0.10.2.dev20260603
libtpu: 0.0.44.dev20260713+nightly
codegen_flags: <defaults>
</compile_context>

<pallas_src>
import jax
import jax.numpy as jnp
from jax import lax
from jax.experimental import pallas as pl
from jax.experimental.pallas import tpu as pltpu, tpu_sc as plsc

_B = 16384
_D = 64

_NC, _NS = 2, 16
_NW = _NC * _NS
_BPW = _B // _NW
_LANES = 16


def _gather_body(users_hbm, movies_hbm, ut2_hbm, mt2_hbm, outu_hbm, outm_hbm,
                 idx, half, rows, sem):
    wid = lax.axis_index("s") * _NC + lax.axis_index("c")
    base = wid * _BPW

    def one_table(src_idx_hbm, table_hbm, out_hbm):
        pltpu.sync_copy(src_idx_hbm.at[pl.ds(base, _BPW)], idx)
        def halve(v, _):
            half[pl.ds(v * _LANES, _LANES)] = (
                idx[pl.ds(v * _LANES, _LANES)] >> 1)
            return 0
        lax.fori_loop(0, _BPW // _LANES, halve, 0, unroll=8)
        pltpu.async_copy(table_hbm.at[half], rows, sem).wait()
        pltpu.sync_copy(rows, out_hbm.at[pl.ds(base, _BPW)])

    one_table(users_hbm, ut2_hbm, outu_hbm)
    one_table(movies_hbm, mt2_hbm, outm_hbm)


def _sc_gather(users, movies, ut2, mt2):
    mesh = plsc.VectorSubcoreMesh(core_axis_name="c", subcore_axis_name="s")
    return pl.kernel(
        _gather_body,
        mesh=mesh,
        out_type=[jax.ShapeDtypeStruct((_B, 2 * _D), jnp.float32),
                  jax.ShapeDtypeStruct((_B, 2 * _D), jnp.float32)],
        scratch_types=[
            pltpu.VMEM((_BPW,), jnp.int32),
            pltpu.VMEM((_BPW,), jnp.int32),
            pltpu.VMEM((_BPW, 2 * _D), jnp.float32),
            pltpu.SemaphoreType.DMA,
        ],
    )(users, movies, ut2, mt2)


_BS = 2048


def _mlp_body(gu_ref, gm_ref, pu_ref, pm_ref, w1_ref, b1_ref, w2_ref, b2_ref,
              w3_ref, b3_ref, w4_ref, b4_ref, out_ref):
    pu = (pu_ref[...] & 1) == 1
    pm = (pm_ref[...] & 1) == 1
    xu = jnp.where(pu, gu_ref[:, _D:], gu_ref[:, :_D])
    xm = jnp.where(pm, gm_ref[:, _D:], gm_ref[:, :_D])
    h = jnp.maximum(
        jnp.dot(xu, w1_ref[0:_D, :], preferred_element_type=jnp.float32)
        + jnp.dot(xm, w1_ref[_D:2 * _D, :],
                  preferred_element_type=jnp.float32)
        + b1_ref[...], 0.0)
    h = jnp.maximum(
        jnp.dot(h, w2_ref[...], preferred_element_type=jnp.float32)
        + b2_ref[...], 0.0)
    h = jnp.maximum(
        jnp.dot(h, w3_ref[...], preferred_element_type=jnp.float32)
        + b3_ref[...], 0.0)
    logit = jnp.sum(h * w4_ref[...], axis=1) + b4_ref[0, 0]
    out_ref[...] = 1.0 / (1.0 + jnp.exp(-logit))


def _tc_mlp(gu, gm, users2d, movies2d, W1, b1, W2, b2, W3, b3, W4, b4):
    grid = (_B // _BS,)
    full = lambda shape: pl.BlockSpec(shape, lambda i: (0,) * len(shape))
    return pl.pallas_call(
        _mlp_body,
        grid=grid,
        in_specs=[
            pl.BlockSpec((_BS, 2 * _D), lambda i: (i, 0)),
            pl.BlockSpec((_BS, 2 * _D), lambda i: (i, 0)),
            pl.BlockSpec((_BS, 1), lambda i: (i, 0)),
            pl.BlockSpec((_BS, 1), lambda i: (i, 0)),
            full((2 * _D, 256)), full((1, 256)),
            full((256, 128)), full((1, 128)),
            full((128, _D)), full((1, _D)),
            full((1, _D)), full((1, 1)),
        ],
        out_specs=pl.BlockSpec((_BS,), lambda i: (i,)),
        out_shape=jax.ShapeDtypeStruct((_B,), jnp.float32),
    )(gu, gm, users2d, movies2d,
      W1, b1.reshape(1, 256), W2, b2.reshape(1, 128),
      W3, b3.reshape(1, _D), W4.reshape(1, _D), b4.reshape(1, 1))


def kernel(users, movies, user_table, movie_table,
           W1, b1, W2, b2, W3, b3, W4, b4):
    users = users.astype(jnp.int32)
    movies = movies.astype(jnp.int32)
    ut2 = user_table.reshape(-1, 2 * _D)
    mt2 = movie_table.reshape(-1, 2 * _D)
    gu, gm = _sc_gather(users, movies, ut2, mt2)
    return _tc_mlp(gu, gm, users.reshape(_B, 1), movies.reshape(_B, 1),
                   W1, b1, W2, b2, W3, b3, W4, b4)

# --- scband reference (transcript-rebuilt; emitter-appended) ---
"""Pipeline reference for scband-neural-cf-63359357550655 (READ-ONLY COPY).

The authoritative reference and input builder live on the scoring server;
editing this copy changes nothing except your own understanding.
"""

import jax, jax.numpy as jnp
import numpy as np

NUM_USERS = 1000000
NUM_MOVIES = 100000
EMBED_DIM = 64
BATCH = 16384


def setup_inputs(seed: int = 0) -> dict:
    key = jax.random.key(seed)
    ks = jax.random.split(key, 12)
    users = jax.random.randint(ks[0], (BATCH,), 0, NUM_USERS)
    movies = jax.random.randint(ks[1], (BATCH,), 0, NUM_MOVIES)
    user_table = jax.random.normal(ks[2], (NUM_USERS, EMBED_DIM), dtype=jnp.float32) * 0.02
    movie_table = jax.random.normal(ks[3], (NUM_MOVIES, EMBED_DIM), dtype=jnp.float32) * 0.02
    W1 = jax.random.normal(ks[4], (EMBED_DIM * 2, 256), dtype=jnp.float32) * (1.0 / np.sqrt(EMBED_DIM * 2))
    b1 = jnp.zeros((256,), dtype=jnp.float32)
    W2 = jax.random.normal(ks[5], (256, 128), dtype=jnp.float32) * (1.0 / np.sqrt(256))
    b2 = jnp.zeros((128,), dtype=jnp.float32)
    W3 = jax.random.normal(ks[6], (128, 64), dtype=jnp.float32) * (1.0 / np.sqrt(128))
    b3 = jnp.zeros((64,), dtype=jnp.float32)
    W4 = jax.random.normal(ks[7], (64, 1), dtype=jnp.float32) * (1.0 / np.sqrt(64))
    b4 = jnp.zeros((1,), dtype=jnp.float32)
    return {
        'users': users, 'movies': movies,
        'user_table': user_table, 'movie_table': movie_table,
        'W1': W1, 'b1': b1, 'W2': W2, 'b2': b2,
        'W3': W3, 'b3': b3, 'W4': W4, 'b4': b4,
    }


def reference(users, movies, user_table, movie_table, W1, b1, W2, b2, W3, b3, W4, b4):
    user_emb = jnp.take(user_table, users, axis=0)
    movie_emb = jnp.take(movie_table, movies, axis=0)
    x = jnp.concatenate([user_emb, movie_emb], axis=1)
    h = jax.nn.relu(x @ W1 + b1)
    # dropout is identity at inference
    h = jax.nn.relu(h @ W2 + b2)
    h = jax.nn.relu(h @ W3 + b3)
    out = jax.nn.sigmoid(h @ W4 + b4)
    return jnp.squeeze(out, axis=-1)

if __name__ == "__main__":
    import jax
    _d = setup_inputs()
    print(jax.jit(kernel)(*tuple(_d.values())))

</pallas_src>

<mosaic_0001>
#map = affine_map<(d0, d1) -> (0)>
#map1 = affine_map<(d0, d1) -> (0, 0)>
module attributes {stable_mosaic.version = 14 : i64} {
  func.func @_gather_body(%arg0: i32, %arg1: i32, %arg2: memref<16384xi32, #tpu.memory_space<hbm>>, %arg3: memref<16384xi32, #tpu.memory_space<hbm>>, %arg4: memref<500000x128xf32, #tpu.memory_space<hbm>>, %arg5: memref<50000x128xf32, #tpu.memory_space<hbm>>, %arg6: memref<16384x128xf32, #tpu.memory_space<hbm>>, %arg7: memref<16384x128xf32, #tpu.memory_space<hbm>>, %arg8: memref<512xi32, #tpu.memory_space<vmem>>, %arg9: memref<512xi32, #tpu.memory_space<vmem>>, %arg10: memref<512x128xf32, #tpu.memory_space<vmem>>, %arg11: memref<!tpu.dma_semaphore, #tpu.memory_space<semaphore_mem>>) attributes {dimension_semantics = [#tpu.dimension_semantics<core_parallel>, #tpu.dimension_semantics<subcore_parallel>], iteration_bounds = array<i64: 2, 16>, scalar_prefetch = 0 : i64, scratch_operands = 4 : i64, tpu.core_type = #tpu.core_type<sc_vector_subcore>, window_params = [{transform_indices = #map}, {transform_indices = #map}, {transform_indices = #map1}, {transform_indices = #map1}, {transform_indices = #map1}, {transform_indices = #map1}]} {
    %mul3A = arith.constant 2 : i32
    %mul3A_0 = arith.muli %arg1, %mul3A : i32
    %add3A = arith.addi %mul3A_0, %arg0 : i32
    %mul3A_1 = arith.constant 512 : i32
    %mul3A_2 = arith.muli %add3A, %mul3A_1 : i32
    "tpu.region"() ({
      %run_scoped3A = tpu.sem_alloc : memref<!tpu.dma_semaphore, #tpu.memory_space<semaphore_mem>>
      %dma_start3A_26 = tpu.memref_slice %arg2[%mul3A_2] : memref<16384xi32, #tpu.memory_space<hbm>> -> memref<512xi32, #tpu.memory_space<hbm>>
      %dma_start3A_27 = tpu.memref_slice %arg2[%mul3A_2] : memref<16384xi32, #tpu.memory_space<hbm>> -> memref<512xi32, #tpu.memory_space<hbm>>
      tpu.enqueue_dma source(%dma_start3A_27 : memref<512xi32, #tpu.memory_space<hbm>>) target(%arg8 : memref<512xi32, #tpu.memory_space<vmem>>) target_semaphore(%run_scoped3A : memref<!tpu.dma_semaphore, #tpu.memory_space<semaphore_mem>>)
      %dma_wait3A_28 = tpu.memref_slice %arg2[%mul3A_2] : memref<16384xi32, #tpu.memory_space<hbm>> -> memref<512xi32, #tpu.memory_space<hbm>>
      %dma_wait3A_29 = tpu.memref_slice %arg2[%mul3A_2] : memref<16384xi32, #tpu.memory_space<hbm>> -> memref<512xi32, #tpu.memory_space<hbm>>
      tpu.wait_dma2 semaphore(%run_scoped3A : memref<!tpu.dma_semaphore, #tpu.memory_space<semaphore_mem>>) src(%dma_wait3A_29 : memref<512xi32, #tpu.memory_space<hbm>>) dst(%arg8 : memref<512xi32, #tpu.memory_space<vmem>>)
      tpu.yield
    }) : () -> ()
    %scan3A = arith.constant 0 : i32
    %scan3A_3 = arith.constant 0 : i32
    %scan3A_4 = arith.constant 32 : i32
    %scan3A_5 = arith.addi %scan3A_3, %scan3A_4 : i32
    %scan3A_6 = arith.constant 8 : i32
    %scan3A_7 = scf.for %scan3A_26 = %scan3A_3 to %scan3A_5 step %scan3A_6 iter_args(%scan3A_27 = %scan3A) -> (i32)  : i32 {
      %mul3A_28 = arith.constant 16 : i32
      %mul3A_29 = arith.muli %scan3A_26, %mul3A_28 : i32
      %get3A = arith.index_cast %mul3A_29 : i32 to index
      %get3A_30 = tpu.vector_load %arg8[%get3A] {strides = array<i32>} : memref<512xi32, #tpu.memory_space<vmem>>, vector<16xi32>,
      %get3A_31 = vector.shape_cast %get3A_30 : vector<16xi32> to vector<16xi32>
      %shift_right_arithmetic3A = arith.constant 1 : i32
      %shift_right_arithmetic3A_32 = vector.broadcast %shift_right_arithmetic3A : i32 to vector<16xi32>
      %shift_right_arithmetic3A_33 = arith.shrsi %get3A_31, %shift_right_arithmetic3A_32 : vector<16xi32>
      %mul3A_34 = arith.constant 16 : i32
      %mul3A_35 = arith.muli %scan3A_26, %mul3A_34 : i32
      %swap3A = arith.index_cast %mul3A_35 : i32 to index
      %swap3A_36 = tpu.vector_load %arg9[%swap3A] {strides = array<i32>} : memref<512xi32, #tpu.memory_space<vmem>>, vector<16xi32>,
      %swap3A_37 = vector.shape_cast %swap3A_36 : vector<16xi32> to vector<16xi32>
      %swap3A_38 = vector.shape_cast %shift_right_arithmetic3A_33 : vector<16xi32> to vector<16xi32>
      tpu.vector_store %arg9[%swap3A], %swap3A_38 {strides = array<i32>} : memref<512xi32, #tpu.memory_space<vmem>>, vector<16xi32>,
      %scan3A_39 = arith.constant 0 : i32
      %scan3A_40 = arith.constant 1 : i32
      %scan3A_41 = arith.addi %scan3A_26, %scan3A_40 : i32
      %mul3A_42 = arith.constant 16 : i32
      %mul3A_43 = arith.muli %scan3A_41, %mul3A_42 : i32
      %get3A_44 = arith.index_cast %mul3A_43 : i32 to index
      %get3A_45 = tpu.vector_load %arg8[%get3A_44] {strides = array<i32>} : memref<512xi32, #tpu.memory_space<vmem>>, vector<16xi32>,
      %get3A_46 = vector.shape_cast %get3A_45 : vector<16xi32> to vector<16xi32>
      %shift_right_arithmetic3A_47 = arith.constant 1 : i32
      %shift_right_arithmetic3A_48 = vector.broadcast %shift_right_arithmetic3A_47 : i32 to vector<16xi32>
      %shift_right_arithmetic3A_49 = arith.shrsi %get3A_46, %shift_right_arithmetic3A_48 : vector<16xi32>
      %mul3A_50 = arith.constant 16 : i32
      %mul3A_51 = arith.muli %scan3A_41, %mul3A_50 : i32
      %swap3A_52 = arith.index_cast %mul3A_51 : i32 to index
      %swap3A_53 = tpu.vector_load %arg9[%swap3A_52] {strides = array<i32>} : memref<512xi32, #tpu.memory_space<vmem>>, vector<16xi32>,
      %swap3A_54 = vector.shape_cast %swap3A_53 : vector<16xi32> to vector<16xi32>
      %swap3A_55 = vector.shape_cast %shift_right_arithmetic3A_49 : vector<16xi32> to vector<16xi32>
      tpu.vector_store %arg9[%swap3A_52], %swap3A_55 {strides = array<i32>} : memref<512xi32, #tpu.memory_space<vmem>>, vector<16xi32>,
      %scan3A_56 = arith.constant 0 : i32
      %scan3A_57 = arith.constant 2 : i32
      %scan3A_58 = arith.addi %scan3A_26, %scan3A_57 : i32
      %mul3A_59 = arith.constant 16 : i32
      %mul3A_60 = arith.muli %scan3A_58, %mul3A_59 : i32
      %get3A_61 = arith.index_cast %mul3A_60 : i32 to index
      %get3A_62 = tpu.vector_load %arg8[%get3A_61] {strides = array<i32>} : memref<512xi32, #tpu.memory_space<vmem>>, vector<16xi32>,
      %get3A_63 = vector.shape_cast %get3A_62 : vector<16xi32> to vector<16xi32>
      %shift_right_arithmetic3A_64 = arith.constant 1 : i32
      %shift_right_arithmetic3A_65 = vector.broadcast %shift_right_arithmetic3A_64 : i32 to vector<16xi32>
      %shift_right_arithmetic3A_66 = arith.shrsi %get3A_63, %shift_right_arithmetic3A_65 : vector<16xi32>
      %mul3A_67 = arith.constant 16 : i32
      %mul3A_68 = arith.muli %scan3A_58, %mul3A_67 : i32
      %swap3A_69 = arith.index_cast %mul3A_68 : i32 to index
      %swap3A_70 = tpu.vector_load %arg9[%swap3A_69] {strides = array<i32>} : memref<512xi32, #tpu.memory_space<vmem>>, vector<16xi32>,
      %swap3A_71 = vector.shape_cast %swap3A_70 : vector<16xi32> to vector<16xi32>
      %swap3A_72 = vector.shape_cast %shift_right_arithmetic3A_66 : vector<16xi32> to vector<16xi32>
      tpu.vector_store %arg9[%swap3A_69], %swap3A_72 {strides = array<i32>} : memref<512xi32, #tpu.memory_space<vmem>>, vector<16xi32>,
      %scan3A_73 = arith.constant 0 : i32
      %scan3A_74 = arith.constant 3 : i32
      %scan3A_75 = arith.addi %scan3A_26, %scan3A_74 : i32
      %mul3A_76 = arith.constant 16 : i32
      %mul3A_77 = arith.muli %scan3A_75, %mul3A_76 : i32
      %get3A_78 = arith.index_cast %mul3A_77 : i32 to index
      %get3A_79 = tpu.vector_load %arg8[%get3A_78] {strides = array<i32>} : memref<512xi32, #tpu.memory_space<vmem>>, vector<16xi32>,
      %get3A_80 = vector.shape_cast %get3A_79 : vector<16xi32> to vector<16xi32>
      %shift_right_arithmetic3A_81 = arith.constant 1 : i32
      %shift_right_arithmetic3A_82 = vector.broadcast %shift_right_arithmetic3A_81 : i32 to vector<16xi32>
      %shift_right_arithmetic3A_83 = arith.shrsi %get3A_80, %shift_right_arithmetic3A_82 : vector<16xi32>
      %mul3A_84 = arith.constant 16 : i32
      %mul3A_85 = arith.muli %scan3A_75, %mul3A_84 : i32
      %swap3A_86 = arith.index_cast %mul3A_85 : i32 to index
      %swap3A_87 = tpu.vector_load %arg9[%swap3A_86] {strides = array<i32>} : memref<512xi32, #tpu.memory_space<vmem>>, vector<16xi32>,
      %swap3A_88 = vector.shape_cast %swap3A_87 : vector<16xi32> to vector<16xi32>
      %swap3A_89 = vector.shape_cast %shift_right_arithmetic3A_83 : vector<16xi32> to vector<16xi32>
      tpu.vector_store %arg9[%swap3A_86], %swap3A_89 {strides = array<i32>} : memref<512xi32, #tpu.memory_space<vmem>>, vector<16xi32>,
      %scan3A_90 = arith.constant 0 : i32
      %scan3A_91 = arith.constant 4 : i32
      %scan3A_92 = arith.addi %scan3A_26, %scan3A_91 : i32
      %mul3A_93 = arith.constant 16 : i32
      %mul3A_94 = arith.muli %scan3A_92, %mul3A_93 : i32
      %get3A_95 = arith.index_cast %mul3A_94 : i32 to index
      %get3A_96 = tpu.vector_load %arg8[%get3A_95] {strides = array<i32>} : memref<512xi32, #tpu.memory_space<vmem>>, vector<16xi32>,
      %get3A_97 = vector.shape_cast %get3A_96 : vector<16xi32> to vector<16xi32>
      %shift_right_arithmetic3A_98 = arith.constant 1 : i32
      %shift_right_arithmetic3A_99 = vector.broadcast %shift_right_arithmetic3A_98 : i32 to vector<16xi32>
      %shift_right_arithmetic3A_100 = arith.shrsi %get3A_97, %shift_right_arithmetic3A_99 : vector<16xi32>
      %mul3A_101 = arith.constant 16 : i32
      %mul3A_102 = arith.muli %scan3A_92, %mul3A_101 : i32
      %swap3A_103 = arith.index_cast %mul3A_102 : i32 to index
      %swap3A_104 = tpu.vector_load %arg9[%swap3A_103] {strides = array<i32>} : memref<512xi32, #tpu.memory_space<vmem>>, vector<16xi32>,
      %swap3A_105 = vector.shape_cast %swap3A_104 : vector<16xi32> to vector<16xi32>
      %swap3A_106 = vector.shape_cast %shift_right_arithmetic3A_100 : vector<16xi32> to vector<16xi32>
      tpu.vector_store %arg9[%swap3A_103], %swap3A_106 {strides = array<i32>} : memref<512xi32, #tpu.memory_space<vmem>>, vector<16xi32>,
      %scan3A_107 = arith.constant 0 : i32
      %scan3A_108 = arith.constant 5 : i32
      %scan3A_109 = arith.addi %scan3A_26, %scan3A_108 : i32
      %mul3A_110 = arith.constant 16 : i32
      %mul3A_111 = arith.muli %scan3A_109, %mul3A_110 : i32
      %get3A_112 = arith.index_cast %mul3A_111 : i32 to index
      %get3A_113 = tpu.vector_load %arg8[%get3A_112] {strides = array<i32>} : memref<512xi32, #tpu.memory_space<vmem>>, vector<16xi32>,
      %get3A_114 = vector.shape_cast %get3A_113 : vector<16xi32> to vector<16xi32>
      %shift_right_arithmetic3A_115 = arith.constant 1 : i32
      %shift_right_arithmetic3A_116 = vector.broadcast %shift_right_arithmetic3A_115 : i32 to vector<16xi32>
      %shift_right_arithmetic3A_117 = arith.shrsi %get3A_114, %shift_right_arithmetic3A_116 : vector<16xi32>
      %mul3A_118 = arith.constant 16 : i32
      %mul3A_119 = arith.muli %scan3A_109, %mul3A_118 : i32
      %swap3A_120 = arith.index_cast %mul3A_119 : i32 to index
      %swap3A_121 = tpu.vector_load %arg9[%swap3A_120] {strides = array<i32>} : memref<512xi32, #tpu.memory_space<vmem>>, vector<16xi32>,
      %swap3A_122 = vector.shape_cast %swap3A_121 : vector<16xi32> to vector<16xi32>
      %swap3A_123 = vector.shape_cast %shift_right_arithmetic3A_117 : vector<16xi32> to vector<16xi32>
      tpu.vector_store %arg9[%swap3A_120], %swap3A_123 {strides = array<i32>} : memref<512xi32, #tpu.memory_space<vmem>>, vector<16xi32>,
      %scan3A_124 = arith.constant 0 : i32
      %scan3A_125 = arith.constant 6 : i32
      %scan3A_126 = arith.addi %scan3A_26, %scan3A_125 : i32
      %mul3A_127 = arith.constant 16 : i32
      %mul3A_128 = arith.muli %scan3A_126, %mul3A_127 : i32
      %get3A_129 = arith.index_cast %mul3A_128 : i32 to index
      %get3A_130 = tpu.vector_load %arg8[%get3A_129] {strides = array<i32>} : memref<512xi32, #tpu.memory_space<vmem>>, vector<16xi32>,
      %get3A_131 = vector.shape_cast %get3A_130 : vector<16xi32> to vector<16xi32>
      %shift_right_arithmetic3A_132 = arith.constant 1 : i32
      %shift_right_arithmetic3A_133 = vector.broadcast %shift_right_arithmetic3A_132 : i32 to vector<16xi32>
      %shift_right_arithmetic3A_134 = arith.shrsi %get3A_131, %shift_right_arithmetic3A_133 : vector<16xi32>
      %mul3A_135 = arith.constant 16 : i32
      %mul3A_136 = arith.muli %scan3A_126, %mul3A_135 : i32
      %swap3A_137 = arith.index_cast %mul3A_136 : i32 to index
      %swap3A_138 = tpu.vector_load %arg9[%swap3A_137] {strides = array<i32>} : memref<512xi32, #tpu.memory_space<vmem>>, vector<16xi32>,
      %swap3A_139 = vector.shape_cast %swap3A_138 : vector<16xi32> to vector<16xi32>
      %swap3A_140 = vector.shape_cast %shift_right_arithmetic3A_134 : vector<16xi32> to vector<16xi32>
      tpu.vector_store %arg9[%swap3A_137], %swap3A_140 {strides = array<i32>} : memref<512xi32, #tpu.memory_space<vmem>>, vector<16xi32>,
      %scan3A_141 = arith.constant 0 : i32
      %scan3A_142 = arith.constant 7 : i32
      %scan3A_143 = arith.addi %scan3A_26, %scan3A_142 : i32
      %mul3A_144 = arith.constant 16 : i32
      %mul3A_145 = arith.muli %scan3A_143, %mul3A_144 : i32
      %get3A_146 = arith.index_cast %mul3A_145 : i32 to index
      %get3A_147 = tpu.vector_load %arg8[%get3A_146] {strides = array<i32>} : memref<512xi32, #tpu.memory_space<vmem>>, vector<16xi32>,
      %get3A_148 = vector.shape_cast %get3A_147 : vector<16xi32> to vector<16xi32>
      %shift_right_arithmetic3A_149 = arith.constant 1 : i32
      %shift_right_arithmetic3A_150 = vector.broadcast %shift_right_arithmetic3A_149 : i32 to vector<16xi32>
      %shift_right_arithmetic3A_151 = arith.shrsi %get3A_148, %shift_right_arithmetic3A_150 : vector<16xi32>
      %mul3A_152 = arith.constant 16 : i32
      %mul3A_153 = arith.muli %scan3A_143, %mul3A_152 : i32
      %swap3A_154 = arith.index_cast %mul3A_153 : i32 to index
      %swap3A_155 = tpu.vector_load %arg9[%swap3A_154] {strides = array<i32>} : memref<512xi32, #tpu.memory_space<vmem>>, vector<16xi32>,
      %swap3A_156 = vector.shape_cast %swap3A_155 : vector<16xi32> to vector<16xi32>
      %swap3A_157 = vector.shape_cast %shift_right_arithmetic3A_151 : vector<16xi32> to vector<16xi32>
      tpu.vector_store %arg9[%swap3A_154], %swap3A_157 {strides = array<i32>} : memref<512xi32, #tpu.memory_space<vmem>>, vector<16xi32>,
      %scan3A_158 = arith.constant 0 : i32
      scf.yield %scan3A_158 : i32
    }
    %scan3A_8 = arith.constant 32 : i32
    %dma_start3A = arith.constant 0 : i32
    %dma_start3A_9 = arith.constant 0 : i32
    %dma_start3A_10 = tpu.memref_slice %arg4[%dma_start3A, %dma_start3A_9] : memref<500000x128xf32, #tpu.memory_space<hbm>> -> memref<500000x128xf32, #tpu.memory_space<hbm>>
    tpu.enqueue_indirect_dma source(%dma_start3A_10 : memref<500000x128xf32, #tpu.memory_space<hbm>>) target(%arg10 : memref<512x128xf32, #tpu.memory_space<vmem>>) offsets(%arg9 : memref<512xi32, #tpu.memory_space<vmem>>) semaphore(%arg11 : memref<!tpu.dma_semaphore, #tpu.memory_space<semaphore_mem>>)
    %dma_wait3A = arith.constant 0 : i32
    %dma_wait3A_11 = arith.constant 0 : i32
    %dma_wait3A_12 = tpu.memref_slice %arg4[%dma_wait3A, %dma_wait3A_11] : memref<500000x128xf32, #tpu.memory_space<hbm>> -> memref<500000x128xf32, #tpu.memory_space<hbm>>
    tpu.wait_indirect_dma semaphore(%arg11 : memref<!tpu.dma_semaphore, #tpu.memory_space<semaphore_mem>>) src(%dma_wait3A_12 : memref<500000x128xf32, #tpu.memory_space<hbm>>) dst(%arg10 : memref<512x128xf32, #tpu.memory_space<vmem>>)
    "tpu.region"() ({
      %run_scoped3A = tpu.sem_alloc : memref<!tpu.dma_semaphore, #tpu.memory_space<semaphore_mem>>
      %dma_start3A_26 = arith.constant 0 : i32
      %dma_start3A_27 = tpu.memref_slice %arg6[%mul3A_2, %dma_start3A_26] : memref<16384x128xf32, #tpu.memory_space<hbm>> -> memref<512x128xf32, #tpu.memory_space<hbm>>
      %dma_start3A_28 = arith.constant 0 : i32
      %dma_start3A_29 = tpu.memref_slice %arg6[%mul3A_2, %dma_start3A_28] : memref<16384x128xf32, #tpu.memory_space<hbm>> -> memref<512x128xf32, #tpu.memory_space<hbm>>
      tpu.enqueue_dma source(%arg10 : memref<512x128xf32, #tpu.memory_space<vmem>>) target(%dma_start3A_29 : memref<512x128xf32, #tpu.memory_space<hbm>>) target_semaphore(%run_scoped3A : memref<!tpu.dma_semaphore, #tpu.memory_space<semaphore_mem>>)
      %dma_wait3A_30 = arith.constant 0 : i32
      %dma_wait3A_31 = tpu.memref_slice %arg6[%mul3A_2, %dma_wait3A_30] : memref<16384x128xf32, #tpu.memory_space<hbm>> -> memref<512x128xf32, #tpu.memory_space<hbm>>
      %dma_wait3A_32 = arith.constant 0 : i32
      %dma_wait3A_33 = tpu.memref_slice %arg6[%mul3A_2, %dma_wait3A_32] : memref<16384x128xf32, #tpu.memory_space<hbm>> -> memref<512x128xf32, #tpu.memory_space<hbm>>
      tpu.wait_dma2 semaphore(%run_scoped3A : memref<!tpu.dma_semaphore, #tpu.memory_space<semaphore_mem>>) src(%arg10 : memref<512x128xf32, #tpu.memory_space<vmem>>) dst(%dma_wait3A_33 : memref<512x128xf32, #tpu.memory_space<hbm>>)
      tpu.yield
    }) : () -> ()
    "tpu.region"() ({
      %run_scoped3A = tpu.sem_alloc : memref<!tpu.dma_semaphore, #tpu.memory_space<semaphore_mem>>
      %dma_start3A_26 = tpu.memref_slice %arg3[%mul3A_2] : memref<16384xi32, #tpu.memory_space<hbm>> -> memref<512xi32, #tpu.memory_space<hbm>>
      %dma_start3A_27 = tpu.memref_slice %arg3[%mul3A_2] : memref<16384xi32, #tpu.memory_space<hbm>> -> memref<512xi32, #tpu.memory_space<hbm>>
      tpu.enqueue_dma source(%dma_start3A_27 : memref<512xi32, #tpu.memory_space<hbm>>) target(%arg8 : memref<512xi32, #tpu.memory_space<vmem>>) target_semaphore(%run_scoped3A : memref<!tpu.dma_semaphore, #tpu.memory_space<semaphore_mem>>)
      %dma_wait3A_28 = tpu.memref_slice %arg3[%mul3A_2] : memref<16384xi32, #tpu.memory_space<hbm>> -> memref<512xi32, #tpu.memory_space<hbm>>
      %dma_wait3A_29 = tpu.memref_slice %arg3[%mul3A_2] : memref<16384xi32, #tpu.memory_space<hbm>> -> memref<512xi32, #tpu.memory_space<hbm>>
      tpu.wait_dma2 semaphore(%run_scoped3A : memref<!tpu.dma_semaphore, #tpu.memory_space<semaphore_mem>>) src(%dma_wait3A_29 : memref<512xi32, #tpu.memory_space<hbm>>) dst(%arg8 : memref<512xi32, #tpu.memory_space<vmem>>)
      tpu.yield
    }) : () -> ()
    %scan3A_13 = arith.constant 0 : i32
    %scan3A_14 = arith.constant 0 : i32
    %scan3A_15 = arith.constant 32 : i32
    %scan3A_16 = arith.addi %scan3A_14, %scan3A_15 : i32
    %scan3A_17 = arith.constant 8 : i32
    %scan3A_18 = scf.for %scan3A_26 = %scan3A_14 to %scan3A_16 step %scan3A_17 iter_args(%scan3A_27 = %scan3A_13) -> (i32)  : i32 {
      %mul3A_28 = arith.constant 16 : i32
      %mul3A_29 = arith.muli %scan3A_26, %mul3A_28 : i32
      %get3A = arith.index_cast %mul3A_29 : i32 to index
      %get3A_30 = tpu.vector_load %arg8[%get3A] {strides = array<i32>} : memref<512xi32, #tpu.memory_space<vmem>>, vector<16xi32>,
      %get3A_31 = vector.shape_cast %get3A_30 : vector<16xi32> to vector<16xi32>
      %shift_right_arithmetic3A = arith.constant 1 : i32
      %shift_right_arithmetic3A_32 = vector.broadcast %shift_right_arithmetic3A : i32 to vector<16xi32>
      %shift_right_arithmetic3A_33 = arith.shrsi %get3A_31, %shift_right_arithmetic3A_32 : vector<16xi32>
      %mul3A_34 = arith.constant 16 : i32
      %mul3A_35 = arith.muli %scan3A_26, %mul3A_34 : i32
      %swap3A = arith.index_cast %mul3A_35 : i32 to index
      %swap3A_36 = tpu.vector_load %arg9[%swap3A] {strides = array<i32>} : memref<512xi32, #tpu.memory_space<vmem>>, vector<16xi32>,
      %swap3A_37 = vector.shape_cast %swap3A_36 : vector<16xi32> to vector<16xi32>
      %swap3A_38 = vector.shape_cast %shift_right_arithmetic3A_33 : vector<16xi32> to vector<16xi32>
      tpu.vector_store %arg9[%swap3A], %swap3A_38 {strides = array<i32>} : memref<512xi32, #tpu.memory_space<vmem>>, vector<16xi32>,
      %scan3A_39 = arith.constant 0 : i32
      %scan3A_40 = arith.constant 1 : i32
      %scan3A_41 = arith.addi %scan3A_26, %scan3A_40 : i32
      %mul3A_42 = arith.constant 16 : i32
      %mul3A_43 = arith.muli %scan3A_41, %mul3A_42 : i32
      %get3A_44 = arith.index_cast %mul3A_43 : i32 to index
      %get3A_45 = tpu.vector_load %arg8[%get3A_44] {strides = array<i32>} : memref<512xi32, #tpu.memory_space<vmem>>, vector<16xi32>,
      %get3A_46 = vector.shape_cast %get3A_45 : vector<16xi32> to vector<16xi32>
      %shift_right_arithmetic3A_47 = arith.constant 1 : i32
      %shift_right_arithmetic3A_48 = vector.broadcast %shift_right_arithmetic3A_47 : i32 to vector<16xi32>
      %shift_right_arithmetic3A_49 = arith.shrsi %get3A_46, %shift_right_arithmetic3A_48 : vector<16xi32>
      %mul3A_50 = arith.constant 16 : i32
      %mul3A_51 = arith.muli %scan3A_41, %mul3A_50 : i32
      %swap3A_52 = arith.index_cast %mul3A_51 : i32 to index
      %swap3A_53 = tpu.vector_load %arg9[%swap3A_52] {strides = array<i32>} : memref<512xi32, #tpu.memory_space<vmem>>, vector<16xi32>,
      %swap3A_54 = vector.shape_cast %swap3A_53 : vector<16xi32> to vector<16xi32>
      %swap3A_55 = vector.shape_cast %shift_right_arithmetic3A_49 : vector<16xi32> to vector<16xi32>
      tpu.vector_store %arg9[%swap3A_52], %swap3A_55 {strides = array<i32>} : memref<512xi32, #tpu.memory_space<vmem>>, vector<16xi32>,
      %scan3A_56 = arith.constant 0 : i32
      %scan3A_57 = arith.constant 2 : i32
      %scan3A_58 = arith.addi %scan3A_26, %scan3A_57 : i32
      %mul3A_59 = arith.constant 16 : i32
      %mul3A_60 = arith.muli %scan3A_58, %mul3A_59 : i32
      %get3A_61 = arith.index_cast %mul3A_60 : i32 to index
      %get3A_62 = tpu.vector_load %arg8[%get3A_61] {strides = array<i32>} : memref<512xi32, #tpu.memory_space<vmem>>, vector<16xi32>,
      %get3A_63 = vector.shape_cast %get3A_62 : vector<16xi32> to vector<16xi32>
      %shift_right_arithmetic3A_64 = arith.constant 1 : i32
      %shift_right_arithmetic3A_65 = vector.broadcast %shift_right_arithmetic3A_64 : i32 to vector<16xi32>
      %shift_right_arithmetic3A_66 = arith.shrsi %get3A_63, %shift_right_arithmetic3A_65 : vector<16xi32>
      %mul3A_67 = arith.constant 16 : i32
      %mul3A_68 = arith.muli %scan3A_58, %mul3A_67 : i32
      %swap3A_69 = arith.index_cast %mul3A_68 : i32 to index
      %swap3A_70 = tpu.vector_load %arg9[%swap3A_69] {strides = array<i32>} : memref<512xi32, #tpu.memory_space<vmem>>, vector<16xi32>,
      %swap3A_71 = vector.shape_cast %swap3A_70 : vector<16xi32> to vector<16xi32>
      %swap3A_72 = vector.shape_cast %shift_right_arithmetic3A_66 : vector<16xi32> to vector<16xi32>
      tpu.vector_store %arg9[%swap3A_69], %swap3A_72 {strides = array<i32>} : memref<512xi32, #tpu.memory_space<vmem>>, vector<16xi32>,
      %scan3A_73 = arith.constant 0 : i32
      %scan3A_74 = arith.constant 3 : i32
      %scan3A_75 = arith.addi %scan3A_26, %scan3A_74 : i32
      %mul3A_76 = arith.constant 16 : i32
      %mul3A_77 = arith.muli %scan3A_75, %mul3A_76 : i32
      %get3A_78 = arith.index_cast %mul3A_77 : i32 to index
      %get3A_79 = tpu.vector_load %arg8[%get3A_78] {strides = array<i32>} : memref<512xi32, #tpu.memory_space<vmem>>, vector<16xi32>,
      %get3A_80 = vector.shape_cast %get3A_79 : vector<16xi32> to vector<16xi32>
      %shift_right_arithmetic3A_81 = arith.constant 1 : i32
      %shift_right_arithmetic3A_82 = vector.broadcast %shift_right_arithmetic3A_81 : i32 to vector<16xi32>
      %shift_right_arithmetic3A_83 = arith.shrsi %get3A_80, %shift_right_arithmetic3A_82 : vector<16xi32>
      %mul3A_84 = arith.constant 16 : i32
      %mul3A_85 = arith.muli %scan3A_75, %mul3A_84 : i32
      %swap3A_86 = arith.index_cast %mul3A_85 : i32 to index
      %swap3A_87 = tpu.vector_load %arg9[%swap3A_86] {strides = array<i32>} : memref<512xi32, #tpu.memory_space<vmem>>, vector<16xi32>,
      %swap3A_88 = vector.shape_cast %swap3A_87 : vector<16xi32> to vector<16xi32>
      %swap3A_89 = vector.shape_cast %shift_right_arithmetic3A_83 : vector<16xi32> to vector<16xi32>
      tpu.vector_store %arg9[%swap3A_86], %swap3A_89 {strides = array<i32>} : memref<512xi32, #tpu.memory_space<vmem>>, vector<16xi32>,
      %scan3A_90 = arith.constant 0 : i32
      %scan3A_91 = arith.constant 4 : i32
      %scan3A_92 = arith.addi %scan3A_26, %scan3A_91 : i32
      %mul3A_93 = arith.constant 16 : i32
      %mul3A_94 = arith.muli %scan3A_92, %mul3A_93 : i32
      %get3A_95 = arith.index_cast %mul3A_94 : i32 to index
      %get3A_96 = tpu.vector_load %arg8[%get3A_95] {strides = array<i32>} : memref<512xi32, #tpu.memory_space<vmem>>, vector<16xi32>,
      %get3A_97 = vector.shape_cast %get3A_96 : vector<16xi32> to vector<16xi32>
      %shift_right_arithmetic3A_98 = arith.constant 1 : i32
      %shift_right_arithmetic3A_99 = vector.broadcast %shift_right_arithmetic3A_98 : i32 to vector<16xi32>
      %shift_right_arithmetic3A_100 = arith.shrsi %get3A_97, %shift_right_arithmetic3A_99 : vector<16xi32>
      %mul3A_101 = arith.constant 16 : i32
      %mul3A_102 = arith.muli %scan3A_92, %mul3A_101 : i32
      %swap3A_103 = arith.index_cast %mul3A_102 : i32 to index
      %swap3A_104 = tpu.vector_load %arg9[%swap3A_103] {strides = array<i32>} : memref<512xi32, #tpu.memory_space<vmem>>, vector<16xi32>,
      %swap3A_105 = vector.shape_cast %swap3A_104 : vector<16xi32> to vector<16xi32>
      %swap3A_106 = vector.shape_cast %shift_right_arithmetic3A_100 : vector<16xi32> to vector<16xi32>
      tpu.vector_store %arg9[%swap3A_103], %swap3A_106 {strides = array<i32>} : memref<512xi32, #tpu.memory_space<vmem>>, vector<16xi32>,
      %scan3A_107 = arith.constant 0 : i32
      %scan3A_108 = arith.constant 5 : i32
      %scan3A_109 = arith.addi %scan3A_26, %scan3A_108 : i32
      %mul3A_110 = arith.constant 16 : i32
      %mul3A_111 = arith.muli %scan3A_109, %mul3A_110 : i32
      %get3A_112 = arith.index_cast %mul3A_111 : i32 to index
      %get3A_113 = tpu.vector_load %arg8[%get3A_112] {strides = array<i32>} : memref<512xi32, #tpu.memory_space<vmem>>, vector<16xi32>,
      %get3A_114 = vector.shape_cast %get3A_113 : vector<16xi32> to vector<16xi32>
      %shift_right_arithmetic3A_115 = arith.constant 1 : i32
      %shift_right_arithmetic3A_116 = vector.broadcast %shift_right_arithmetic3A_115 : i32 to vector<16xi32>
      %shift_right_arithmetic3A_117 = arith.shrsi %get3A_114, %shift_right_arithmetic3A_116 : vector<16xi32>
      %mul3A_118 = arith.constant 16 : i32
      %mul3A_119 = arith.muli %scan3A_109, %mul3A_118 : i32
      %swap3A_120 = arith.index_cast %mul3A_119 : i32 to index
      %swap3A_121 = tpu.vector_load %arg9[%swap3A_120] {strides = array<i32>} : memref<512xi32, #tpu.memory_space<vmem>>, vector<16xi32>,
      %swap3A_122 = vector.shape_cast %swap3A_121 : vector<16xi32> to vector<16xi32>
      %swap3A_123 = vector.shape_cast %shift_right_arithmetic3A_117 : vector<16xi32> to vector<16xi32>
      tpu.vector_store %arg9[%swap3A_120], %swap3A_123 {strides = array<i32>} : memref<512xi32, #tpu.memory_space<vmem>>, vector<16xi32>,
      %scan3A_124 = arith.constant 0 : i32
      %scan3A_125 = arith.constant 6 : i32
      %scan3A_126 = arith.addi %scan3A_26, %scan3A_125 : i32
      %mul3A_127 = arith.constant 16 : i32
      %mul3A_128 = arith.muli %scan3A_126, %mul3A_127 : i32
      %get3A_129 = arith.index_cast %mul3A_128 : i32 to index
      %get3A_130 = tpu.vector_load %arg8[%get3A_129] {strides = array<i32>} : memref<512xi32, #tpu.memory_space<vmem>>, vector<16xi32>,
      %get3A_131 = vector.shape_cast %get3A_130 : vector<16xi32> to vector<16xi32>
      %shift_right_arithmetic3A_132 = arith.constant 1 : i32
      %shift_right_arithmetic3A_133 = vector.broadcast %shift_right_arithmetic3A_132 : i32 to vector<16xi32>
      %shift_right_arithmetic3A_134 = arith.shrsi %get3A_131, %shift_right_arithmetic3A_133 : vector<16xi32>
      %mul3A_135 = arith.constant 16 : i32
      %mul3A_136 = arith.muli %scan3A_126, %mul3A_135 : i32
      %swap3A_137 = arith.index_cast %mul3A_136 : i32 to index
      %swap3A_138 = tpu.vector_load %arg9[%swap3A_137] {strides = array<i32>} : memref<512xi32, #tpu.memory_space<vmem>>, vector<16xi32>,
      %swap3A_139 = vector.shape_cast %swap3A_138 : vector<16xi32> to vector<16xi32>
      %swap3A_140 = vector.shape_cast %shift_right_arithmetic3A_134 : vector<16xi32> to vector<16xi32>
      tpu.vector_store %arg9[%swap3A_137], %swap3A_140 {strides = array<i32>} : memref<512xi32, #tpu.memory_space<vmem>>, vector<16xi32>,
      %scan3A_141 = arith.constant 0 : i32
      %scan3A_142 = arith.constant 7 : i32
      %scan3A_143 = arith.addi %scan3A_26, %scan3A_142 : i32
      %mul3A_144 = arith.constant 16 : i32
      %mul3A_145 = arith.muli %scan3A_143, %mul3A_144 : i32
      %get3A_146 = arith.index_cast %mul3A_145 : i32 to index
      %get3A_147 = tpu.vector_load %arg8[%get3A_146] {strides = array<i32>} : memref<512xi32, #tpu.memory_space<vmem>>, vector<16xi32>,
      %get3A_148 = vector.shape_cast %get3A_147 : vector<16xi32> to vector<16xi32>
      %shift_right_arithmetic3A_149 = arith.constant 1 : i32
      %shift_right_arithmetic3A_150 = vector.broadcast %shift_right_arithmetic3A_149 : i32 to vector<16xi32>
      %shift_right_arithmetic3A_151 = arith.shrsi %get3A_148, %shift_right_arithmetic3A_150 : vector<16xi32>
      %mul3A_152 = arith.constant 16 : i32
      %mul3A_153 = arith.muli %scan3A_143, %mul3A_152 : i32
      %swap3A_154 = arith.index_cast %mul3A_153 : i32 to index
      %swap3A_155 = tpu.vector_load %arg9[%swap3A_154] {strides = array<i32>} : memref<512xi32, #tpu.memory_space<vmem>>, vector<16xi32>,
      %swap3A_156 = vector.shape_cast %swap3A_155 : vector<16xi32> to vector<16xi32>
      %swap3A_157 = vector.shape_cast %shift_right_arithmetic3A_151 : vector<16xi32> to vector<16xi32>
      tpu.vector_store %arg9[%swap3A_154], %swap3A_157 {strides = array<i32>} : memref<512xi32, #tpu.memory_space<vmem>>, vector<16xi32>,
      %scan3A_158 = arith.constant 0 : i32
      scf.yield %scan3A_158 : i32
    }
    %scan3A_19 = arith.constant 32 : i32
    %dma_start3A_20 = arith.constant 0 : i32
    %dma_start3A_21 = arith.constant 0 : i32
    %dma_start3A_22 = tpu.memref_slice %arg5[%dma_start3A_20, %dma_start3A_21] : memref<50000x128xf32, #tpu.memory_space<hbm>> -> memref<50000x128xf32, #tpu.memory_space<hbm>>
    tpu.enqueue_indirect_dma source(%dma_start3A_22 : memref<50000x128xf32, #tpu.memory_space<hbm>>) target(%arg10 : memref<512x128xf32, #tpu.memory_space<vmem>>) offsets(%arg9 : memref<512xi32, #tpu.memory_space<vmem>>) semaphore(%arg11 : memref<!tpu.dma_semaphore, #tpu.memory_space<semaphore_mem>>)
    %dma_wait3A_23 = arith.constant 0 : i32
    %dma_wait3A_24 = arith.constant 0 : i32
    %dma_wait3A_25 = tpu.memref_slice %arg5[%dma_wait3A_23, %dma_wait3A_24] : memref<50000x128xf32, #tpu.memory_space<hbm>> -> memref<50000x128xf32, #tpu.memory_space<hbm>>
    tpu.wait_indirect_dma semaphore(%arg11 : memref<!tpu.dma_semaphore, #tpu.memory_space<semaphore_mem>>) src(%dma_wait3A_25 : memref<50000x128xf32, #tpu.memory_space<hbm>>) dst(%arg10 : memref<512x128xf32, #tpu.memory_space<vmem>>)
    "tpu.region"() ({
      %run_scoped3A = tpu.sem_alloc : memref<!tpu.dma_semaphore, #tpu.memory_space<semaphore_mem>>
      %dma_start3A_26 = arith.constant 0 : i32
      %dma_start3A_27 = tpu.memref_slice %arg7[%mul3A_2, %dma_start3A_26] : memref<16384x128xf32, #tpu.memory_space<hbm>> -> memref<512x128xf32, #tpu.memory_space<hbm>>
      %dma_start3A_28 = arith.constant 0 : i32
      %dma_start3A_29 = tpu.memref_slice %arg7[%mul3A_2, %dma_start3A_28] : memref<16384x128xf32, #tpu.memory_space<hbm>> -> memref<512x128xf32, #tpu.memory_space<hbm>>
      tpu.enqueue_dma source(%arg10 : memref<512x128xf32, #tpu.memory_space<vmem>>) target(%dma_start3A_29 : memref<512x128xf32, #tpu.memory_space<hbm>>) target_semaphore(%run_scoped3A : memref<!tpu.dma_semaphore, #tpu.memory_space<semaphore_mem>>)
      %dma_wait3A_30 = arith.constant 0 : i32
      %dma_wait3A_31 = tpu.memref_slice %arg7[%mul3A_2, %dma_wait3A_30] : memref<16384x128xf32, #tpu.memory_space<hbm>> -> memref<512x128xf32, #tpu.memory_space<hbm>>
      %dma_wait3A_32 = arith.constant 0 : i32
      %dma_wait3A_33 = tpu.memref_slice %arg7[%mul3A_2, %dma_wait3A_32] : memref<16384x128xf32, #tpu.memory_space<hbm>> -> memref<512x128xf32, #tpu.memory_space<hbm>>
      tpu.wait_dma2 semaphore(%run_scoped3A : memref<!tpu.dma_semaphore, #tpu.memory_space<semaphore_mem>>) src(%arg10 : memref<512x128xf32, #tpu.memory_space<vmem>>) dst(%dma_wait3A_33 : memref<512x128xf32, #tpu.memory_space<hbm>>)
      tpu.yield
    }) : () -> ()
    return
  }
}

module attributes {stable_mosaic.version = 14 : i64} {
  func.func @_mlp_body(%arg0: i32, %arg1: memref<2048x128xf32, #tpu.memory_space<vmem>>, %arg2: memref<2048x128xf32, #tpu.memory_space<vmem>>, %arg3: memref<2048x1xi32, #tpu.memory_space<vmem>>, %arg4: memref<2048x1xi32, #tpu.memory_space<vmem>>, %arg5: memref<128x256xf32, #tpu.memory_space<vmem>>, %arg6: memref<1x256xf32, #tpu.memory_space<vmem>>, %arg7: memref<256x128xf32, #tpu.memory_space<vmem>>, %arg8: memref<1x128xf32, #tpu.memory_space<vmem>>, %arg9: memref<128x64xf32, #tpu.memory_space<vmem>>, %arg10: memref<1x64xf32, #tpu.memory_space<vmem>>, %arg11: memref<1x64xf32, #tpu.memory_space<vmem>>, %arg12: memref<1x1xf32, #tpu.memory_space<vmem>>, %arg13: memref<2048xf32, #tpu.memory_space<vmem>>) attributes {dimension_semantics = [#tpu.dimension_semantics<arbitrary>], iteration_bounds = array<i64: 8>, scalar_prefetch = 0 : i64, scratch_operands = 0 : i64, tpu.core_type = #tpu.core_type<tc>, window_params = [{transform_indices = @transform_0, window_bounds = array<i64: 2048, 128>}, {transform_indices = @transform_1, window_bounds = array<i64: 2048, 128>}, {transform_indices = @transform_2, window_bounds = array<i64: 2048, 1>}, {transform_indices = @transform_3, window_bounds = array<i64: 2048, 1>}, {pipeline_mode = #tpu.pipeline_mode<synchronous>, transform_indices = @transform_4, window_bounds = array<i64: 128, 256>}, {pipeline_mode = #tpu.pipeline_mode<synchronous>, transform_indices = @transform_5, window_bounds = array<i64: 1, 256>}, {pipeline_mode = #tpu.pipeline_mode<synchronous>, transform_indices = @transform_6, window_bounds = array<i64: 256, 128>}, {pipeline_mode = #tpu.pipeline_mode<synchronous>, transform_indices = @transform_7, window_bounds = array<i64: 1, 128>}, {pipeline_mode = #tpu.pipeline_mode<synchronous>, transform_indices = @transform_8, window_bounds = array<i64: 128, 64>}, {pipeline_mode = #tpu.pipeline_mode<synchronous>, transform_indices = @transform_9, window_bounds = array<i64: 1, 64>}, {pipeline_mode = #tpu.pipeline_mode<synchronous>, transform_indices = @transform_10, window_bounds = array<i64: 1, 64>}, {pipeline_mode = #tpu.pipeline_mode<synchronous>, transform_indices = @transform_11, window_bounds = array<i64: 1, 1>}, {transform_indices = @transform_12, window_bounds = array<i64: 2048>}]} {
    %get3A = arith.constant 0 : index
    %get3A_0 = arith.constant 0 : index
    %get3A_1 = vector.load %arg3[%get3A, %get3A_0] : memref<2048x1xi32, #tpu.memory_space<vmem>>, vector<2048x1xi32>
    %and3A = arith.constant 1 : i32
    %and3A_2 = vector.broadcast %and3A : i32 to vector<2048x1xi32>
    %and3A_3 = arith.andi %get3A_1, %and3A_2 : vector<2048x1xi32>
    %eq3A = arith.constant 1 : i32
    %eq3A_4 = vector.broadcast %eq3A : i32 to vector<2048x1xi32>
    %eq3A_5 = arith.cmpi eq, %and3A_3, %eq3A_4 : vector<2048x1xi32>
    %get3A_6 = arith.constant 0 : index
    %get3A_7 = arith.constant 0 : index
    %get3A_8 = vector.load %arg4[%get3A_6, %get3A_7] : memref<2048x1xi32, #tpu.memory_space<vmem>>, vector<2048x1xi32>
    %and3A_9 = arith.constant 1 : i32
    %and3A_10 = vector.broadcast %and3A_9 : i32 to vector<2048x1xi32>
    %and3A_11 = arith.andi %get3A_8, %and3A_10 : vector<2048x1xi32>
    %eq3A_12 = arith.constant 1 : i32
    %eq3A_13 = vector.broadcast %eq3A_12 : i32 to vector<2048x1xi32>
    %eq3A_14 = arith.cmpi eq, %and3A_11, %eq3A_13 : vector<2048x1xi32>
    %get3A_15 = arith.constant 0 : index
    %get3A_16 = arith.constant 64 : index
    %get3A_17 = vector.load %arg1[%get3A_15, %get3A_16] : memref<2048x128xf32, #tpu.memory_space<vmem>>, vector<2048x64xf32>
    %get3A_18 = arith.constant 0 : index
    %get3A_19 = arith.constant 0 : index
    %get3A_20 = vector.load %arg1[%get3A_18, %get3A_19] : memref<2048x128xf32, #tpu.memory_space<vmem>>, vector<2048x64xf32>
    %broadcast_in_dim3A = vector.shape_cast %eq3A_5 : vector<2048x1xi1> to vector<2048x1xi1>
    %broadcast_in_dim3A_21 = vector.broadcast %broadcast_in_dim3A : vector<2048x1xi1> to vector<2048x64xi1>
    %select_n3A = arith.select %broadcast_in_dim3A_21, %get3A_17, %get3A_20 : vector<2048x64xi1>, vector<2048x64xf32>
    %get3A_22 = arith.constant 0 : index
    %get3A_23 = arith.constant 64 : index
    %get3A_24 = vector.load %arg2[%get3A_22, %get3A_23] : memref<2048x128xf32, #tpu.memory_space<vmem>>, vector<2048x64xf32>
    %get3A_25 = arith.constant 0 : index
    %get3A_26 = arith.constant 0 : index
    %get3A_27 = vector.load %arg2[%get3A_25, %get3A_26] : memref<2048x128xf32, #tpu.memory_space<vmem>>, vector<2048x64xf32>
    %broadcast_in_dim3A_28 = vector.shape_cast %eq3A_14 : vector<2048x1xi1> to vector<2048x1xi1>
    %broadcast_in_dim3A_29 = vector.broadcast %broadcast_in_dim3A_28 : vector<2048x1xi1> to vector<2048x64xi1>
    %select_n3A_30 = arith.select %broadcast_in_dim3A_29, %get3A_24, %get3A_27 : vector<2048x64xi1>, vector<2048x64xf32>
    %get3A_31 = arith.constant 0 : index
    %get3A_32 = arith.constant 0 : index
    %get3A_33 = vector.load %arg5[%get3A_31, %get3A_32] : memref<128x256xf32, #tpu.memory_space<vmem>>, vector<64x256xf32>
    %dot_general3A = arith.constant dense<0.000000e+00> : vector<2048x256xf32>
    %dot_general3A_34 = tpu.matmul %select_n3A, %get3A_33, %dot_general3A {dimension_numbers = #tpu.dot_dimension_numbers<[1], [0], [0], [1], [0, 0, 1, 1], [], []>, transpose_lhs_hint = false} : vector<2048x64xf32>, vector<64x256xf32>, vector<2048x256xf32> -> vector<2048x256xf32>
    %get3A_35 = arith.constant 64 : index
    %get3A_36 = arith.constant 0 : index
    %get3A_37 = vector.load %arg5[%get3A_35, %get3A_36] : memref<128x256xf32, #tpu.memory_space<vmem>>, vector<64x256xf32>
    %dot_general3A_38 = arith.constant dense<0.000000e+00> : vector<2048x256xf32>
    %dot_general3A_39 = tpu.matmul %select_n3A_30, %get3A_37, %dot_general3A_38 {dimension_numbers = #tpu.dot_dimension_numbers<[1], [0], [0], [1], [0, 0, 1, 1], [], []>, transpose_lhs_hint = false} : vector<2048x64xf32>, vector<64x256xf32>, vector<2048x256xf32> -> vector<2048x256xf32>
    %add3A = arith.addf %dot_general3A_34, %dot_general3A_39 : vector<2048x256xf32>
    %get3A_40 = arith.constant 0 : index
    %get3A_41 = arith.constant 0 : index
    %get3A_42 = vector.load %arg6[%get3A_40, %get3A_41] : memref<1x256xf32, #tpu.memory_space<vmem>>, vector<1x256xf32>
    %add3A_43 = vector.broadcast %get3A_42 : vector<1x256xf32> to vector<2048x256xf32>
    %add3A_44 = arith.addf %add3A, %add3A_43 : vector<2048x256xf32>
    %max3A = arith.constant 0.000000e+00 : f32
    %max3A_45 = vector.broadcast %max3A : f32 to vector<2048x256xf32>
    %max3A_46 = arith.maximumf %add3A_44, %max3A_45 : vector<2048x256xf32>
    %get3A_47 = arith.constant 0 : index
    %get3A_48 = arith.constant 0 : index
    %get3A_49 = vector.load %arg7[%get3A_47, %get3A_48] : memref<256x128xf32, #tpu.memory_space<vmem>>, vector<256x128xf32>
    %dot_general3A_50 = arith.constant dense<0.000000e+00> : vector<2048x128xf32>
    %dot_general3A_51 = tpu.matmul %max3A_46, %get3A_49, %dot_general3A_50 {dimension_numbers = #tpu.dot_dimension_numbers<[1], [0], [0], [1], [0, 0, 1, 1], [], []>, transpose_lhs_hint = false} : vector<2048x256xf32>, vector<256x128xf32>, vector<2048x128xf32> -> vector<2048x128xf32>
    %get3A_52 = arith.constant 0 : index
    %get3A_53 = arith.constant 0 : index
    %get3A_54 = vector.load %arg8[%get3A_52, %get3A_53] : memref<1x128xf32, #tpu.memory_space<vmem>>, vector<1x128xf32>
    %add3A_55 = vector.broadcast %get3A_54 : vector<1x128xf32> to vector<2048x128xf32>
    %add3A_56 = arith.addf %dot_general3A_51, %add3A_55 : vector<2048x128xf32>
    %max3A_57 = arith.constant 0.000000e+00 : f32
    %max3A_58 = vector.broadcast %max3A_57 : f32 to vector<2048x128xf32>
    %max3A_59 = arith.maximumf %add3A_56, %max3A_58 : vector<2048x128xf32>
    %get3A_60 = arith.constant 0 : index
    %get3A_61 = arith.constant 0 : index
    %get3A_62 = vector.load %arg9[%get3A_60, %get3A_61] : memref<128x64xf32, #tpu.memory_space<vmem>>, vector<128x64xf32>
    %dot_general3A_63 = arith.constant dense<0.000000e+00> : vector<2048x64xf32>
    %dot_general3A_64 = tpu.matmul %max3A_59, %get3A_62, %dot_general3A_63 {dimension_numbers = #tpu.dot_dimension_numbers<[1], [0], [0], [1], [0, 0, 1, 1], [], []>, transpose_lhs_hint = false} : vector<2048x128xf32>, vector<128x64xf32>, vector<2048x64xf32> -> vector<2048x64xf32>
    %get3A_65 = arith.constant 0 : index
    %get3A_66 = arith.constant 0 : index
    %get3A_67 = vector.load %arg10[%get3A_65, %get3A_66] : memref<1x64xf32, #tpu.memory_space<vmem>>, vector<1x64xf32>
    %add3A_68 = vector.broadcast %get3A_67 : vector<1x64xf32> to vector<2048x64xf32>
    %add3A_69 = arith.addf %dot_general3A_64, %add3A_68 : vector<2048x64xf32>
    %max3A_70 = arith.constant 0.000000e+00 : f32
    %max3A_71 = vector.broadcast %max3A_70 : f32 to vector<2048x64xf32>
    %max3A_72 = arith.maximumf %add3A_69, %max3A_71 : vector<2048x64xf32>
    %get3A_73 = arith.constant 0 : index
    %get3A_74 = arith.constant 0 : index
    %get3A_75 = vector.load %arg11[%get3A_73, %get3A_74] : memref<1x64xf32, #tpu.memory_space<vmem>>, vector<1x64xf32>
    %mul3A = vector.broadcast %get3A_75 : vector<1x64xf32> to vector<2048x64xf32>
    %mul3A_76 = arith.mulf %max3A_72, %mul3A : vector<2048x64xf32>
    %reduce_sum3A = arith.constant dense<0.000000e+00> : vector<2048xf32>
    %reduce_sum3A_77 = vector.multi_reduction <add>, %mul3A_76, %reduce_sum3A [1] : vector<2048x64xf32> to vector<2048xf32>
    %get3A_78 = arith.constant 0 : index
    %get3A_79 = arith.constant 0 : index
    %get3A_80 = vector.load %arg12[%get3A_78, %get3A_79] : memref<1x1xf32, #tpu.memory_space<vmem>>, vector<1x1xf32>
    %get3A_81 = vector.extract %get3A_80[0, 0] : f32 from vector<1x1xf32>
    %add3A_82 = vector.broadcast %get3A_81 : f32 to vector<2048xf32>
    %add3A_83 = arith.addf %reduce_sum3A_77, %add3A_82 : vector<2048xf32>
    %neg3A = arith.constant 0.000000e+00 : f32
    %neg3A_84 = vector.broadcast %neg3A : f32 to vector<2048xf32>
    %neg3A_85 = arith.subf %neg3A_84, %add3A_83 : vector<2048xf32>
    %exp3A = math.exp %neg3A_85 : vector<2048xf32>
    %add3A_86 = arith.constant 1.000000e+00 : f32
    %add3A_87 = vector.broadcast %add3A_86 : f32 to vector<2048xf32>
    %add3A_88 = arith.addf %add3A_87, %exp3A : vector<2048xf32>
    %div3A = arith.constant 1.000000e+00 : f32
    %div3A_89 = vector.broadcast %div3A : f32 to vector<2048xf32>
    %div3A_90 = arith.divf %div3A_89, %add3A_88 : vector<2048xf32>
    %swap3A = arith.constant 0 : index
    %swap3A_91 = vector.load %arg13[%swap3A] : memref<2048xf32, #tpu.memory_space<vmem>>, vector<2048xf32>
    tpu.vector_store %arg13[%swap3A], %div3A_90 {strides = array<i32>} : memref<2048xf32, #tpu.memory_space<vmem>>, vector<2048xf32>,
    return
  }
  func.func @transform_0(%arg0: i32) -> (i32, i32) {
    %c0_i32 = arith.constant 0 : i32
    %c0_i32_0 = arith.constant 0 : i32
    return %arg0, %c0_i32 : i32, i32
  }
  func.func @transform_1(%arg0: i32) -> (i32, i32) {
    %c0_i32 = arith.constant 0 : i32
    %c0_i32_0 = arith.constant 0 : i32
    return %arg0, %c0_i32 : i32, i32
  }
  func.func @transform_2(%arg0: i32) -> (i32, i32) {
    %c0_i32 = arith.constant 0 : i32
    %c0_i32_0 = arith.constant 0 : i32
    return %arg0, %c0_i32 : i32, i32
  }
  func.func @transform_3(%arg0: i32) -> (i32, i32) {
    %c0_i32 = arith.constant 0 : i32
    %c0_i32_0 = arith.constant 0 : i32
    return %arg0, %c0_i32 : i32, i32
  }
  func.func @transform_4(%arg0: i32) -> (i32, i32) {
    %c0_i32 = arith.constant 0 : i32
    %c0_i32_0 = arith.constant 0 : i32
    %c0_i32_1 = arith.constant 0 : i32
    return %c0_i32, %c0_i32_0 : i32, i32
  }
  func.func @transform_5(%arg0: i32) -> (i32, i32) {
    %c0_i32 = arith.constant 0 : i32
    %c0_i32_0 = arith.constant 0 : i32
    %c0_i32_1 = arith.constant 0 : i32
    return %c0_i32, %c0_i32_0 : i32, i32
  }
  func.func @transform_6(%arg0: i32) -> (i32, i32) {
    %c0_i32 = arith.constant 0 : i32
    %c0_i32_0 = arith.constant 0 : i32
    %c0_i32_1 = arith.constant 0 : i32
    return %c0_i32, %c0_i32_0 : i32, i32
  }
  func.func @transform_7(%arg0: i32) -> (i32, i32) {
    %c0_i32 = arith.constant 0 : i32
    %c0_i32_0 = arith.constant 0 : i32
    %c0_i32_1 = arith.constant 0 : i32
    return %c0_i32, %c0_i32_0 : i32, i32
  }
  func.func @transform_8(%arg0: i32) -> (i32, i32) {
    %c0_i32 = arith.constant 0 : i32
    %c0_i32_0 = arith.constant 0 : i32
    %c0_i32_1 = arith.constant 0 : i32
    return %c0_i32, %c0_i32_0 : i32, i32
  }
  func.func @transform_9(%arg0: i32) -> (i32, i32) {
    %c0_i32 = arith.constant 0 : i32
    %c0_i32_0 = arith.constant 0 : i32
    %c0_i32_1 = arith.constant 0 : i32
    return %c0_i32, %c0_i32_0 : i32, i32
  }
  func.func @transform_10(%arg0: i32) -> (i32, i32) {
    %c0_i32 = arith.constant 0 : i32
    %c0_i32_0 = arith.constant 0 : i32
    %c0_i32_1 = arith.constant 0 : i32
    return %c0_i32, %c0_i32_0 : i32, i32
  }
  func.func @transform_11(%arg0: i32) -> (i32, i32) {
    %c0_i32 = arith.constant 0 : i32
    %c0_i32_0 = arith.constant 0 : i32
    %c0_i32_1 = arith.constant 0 : i32
    return %c0_i32, %c0_i32_0 : i32, i32
  }
  func.func @transform_12(%arg0: i32) -> i32 {
    %c0_i32 = arith.constant 0 : i32
    return %arg0 : i32
  }
}

</mosaic_0001>

<sc_bundles>
// kernel: kernel.4.cloned.1.call-start
scs
__scs_entry_jumppad:
0x0: {  	(pc) =	sbr.rel $0x88, $3  }
0x1: {  	(tag) =	ssettag $0x0;
	lr =	simm.s32 $0x1  }
0x2: {  	[smem:$0x3F95] =	sst lr;
	_ =	strace $0xD0000000  }
0x3: {  	_ = 	snop  }
0x4: {  	_ = 	snop  }
0x5: {  	_ = 	snop  }
0x6: {  	_ = 	snop  }
0x7: {  	_ = 	snop  }
__scs_overlays_trampoline_lowered:
0x8: {  	[smem:$0x3FA4] =	sst s0  }
0x9: {  	[smem:$0x3FA5] =	sst s1  }
0xa: {  	[smem:$0x3FA6] =	sst s2  }
0xb: {  	[smem:$0x3FA7] =	sst s3  }
0xc: {  	[smem:$0x3FA8] =	sst s4  }
0xd: {  	[smem:$0x3FA9] =	sst s5  }
0xe: {  	[smem:$0x3FAA] =	sst s6  }
0xf: {  	[smem:$0x3FAB] =	sst s7  }
0x10: {  	[smem:$0x3FAC] =	sst s8  }
0x11: {  	[smem:$0x3FAD] =	sst s9;
	s0 =	simm.s32 @!p0 $0x0  }
0x12: {  	s1 =	sld [smem:$0x3F93];
	s0 =	simm.s32 @p0 $0x1  }
0x13: {  	[smem:$0x3FAE] =	sst s0;
	s0 =	simm.s32 @!p1 $0x0  }
0x14: {  	s2 =	sld [smem:$0x3F92];
	s0 =	simm.s32 @p1 $0x1  }
0x15: {  	[smem:$0x3FAF] =	sst s0;
	s0 =	simm.s32 @!p2 $0x0  }
0x16: {  	s3 =	sld [smem:$0x3FDB];
	s0 =	simm.s32 @p2 $0x1  }
0x17: {  	s4 =	simm.s32 $0x1BF5;
	[smem:$0x3FB1] =	sst s0  }
0x18: {  	s0 =	sld [smem:$0x3F94];
	_ =	swait.ge [sflag:s4], $0x0  }
0x19: {  	s7 =	sld [smem:$0x3F95]  }
0x1a: {  	s8 =	sadd.s32 $0xFFFFE003, lr  }
0x1b: {  	s9 =	sadd.s32 $0xFFFFFEF7, lr;
	s5 =	simm.s32 $0xFFFFFFFF;
	p2 =	slt.u32 s8, $0xFFFFF086  }
0x1c: {  	p1 =	slt.u32 s9, $0xF7A;
	s5 =	simm.s32 @!p2 $0x0  }
0x1d: {  	s5 =	simm.s32 @p1 $0x1;
	p0 =	seq.s32 s7, s2  }
0x1e: {  	s7 =	smul.u32 @!p0 $0xF7A, s2;
	p2 =	seq.s32 @!p0 s5, $0x0  }
0x1f: {  	s9 =	smul.u32 $0xF7A, s1;
	s8 =	simm.s32 @!p0 $0x1BF5;
	p2 =	por !p2, p0  }
0x20: {  	[sflag:s8] =	ssyncset.s32 @!p0 $0xFFFFF086;
	s6 =	sadd.s32 @!p0 s3, s7;
	s7 =	simm.s32 @!p0 $0x108  }
0x21: {  	s3 =	sadd.s32 s3, s9;
	s6 =	sadd.s32 @!p0 $0x88, s6;
	s7 =	simm.s32 @p2 $0x1082  }
0x22: {  	[simem:s7], [sflag:s8] =	dma.local @!p0 [hbm:s6], $0xF7A  }
0x23: {  	s9 =	sor.u32 $0xD0000000, s2;
	s6 =	simm.s32 $0x108;
	_ =	swait.ge @!p0 [sflag:s8], $0x0  }
0x24: {  	s3 =	sadd.s32 $0x88, s3;
	s6 =	simm.s32 @!p1 $0x1082;
	[sflag:s4] =	ssyncset.s32 $0xFFFFF086  }
0x25: {  	[simem:s6], [sflag:s4] =	dma.local [hbm:s3], $0xF7A  }
0x26: {  	[smem:$0x3F95] =	sst s1;
	(tag) =	ssettag s2;
	_ =	strace s9  }
0x27: {  	s1 =	sld [smem:$0x3FA5]  }
0x28: {  	s2 =	sld [smem:$0x3FA6]  }
0x29: {  	s4 =	sld [smem:$0x3FA8]  }
0x2a: {  	p0 =	seq.s32 s5, $0x0;
	s5 =	sld [smem:$0x3FA9]  }
0x2b: {  	s6 =	sld [smem:$0x3FAA]  }
0x2c: {  	s7 =	sld [smem:$0x3FAB]  }
0x2d: {  	s3 =	simm.s32 $0x108;
	s8 =	sld [smem:$0x3FAC]  }
0x2e: {  	s3 =	simm.s32 @!p0 $0x1082;
	s9 =	sld [smem:$0x3FAD]  }
0x2f: {  	lr =	sadd.s32 s0, s3;
	s0 =	sld [smem:$0x3FA4]  }
0x30: {  	s3 =	sld [smem:$0x3FA7]  }
0x31: {  	[smem:$0x3FB0] =	sst s10  }
0x32: {  	s10 =	sld [smem:$0x3FAE];
	_ =	sdelay $0x3  }
0x33: {  	p0 =	seq.s32 s10, $0x1;
	s10 =	sld [smem:$0x3FB0];
	_ =	sdelay $0x3  }
0x34: {  	[smem:$0x3FB0] =	sst s10  }
0x35: {  	s10 =	sld [smem:$0x3FAF];
	_ =	sdelay $0x3  }
0x36: {  	p1 =	seq.s32 s10, $0x1;
	s10 =	sld [smem:$0x3FB0];
	_ =	sdelay $0x3  }
0x37: {  	[smem:$0x3FB0] =	sst s10  }
0x38: {  	s10 =	sld [smem:$0x3FB1]  }
0x39: {  	_ = 	snop;
	(pc) =	sbr.ind lr, $3  }
0x3a: {  	_ = 	snop  }
0x3b: {  	_ = 	snop  }
0x3c: {  	p2 =	seq.s32 s10, $0x1;
	s10 =	sld [smem:$0x3FB0]  }
0x3d: {  	_ =	shalt  }
0x3e: {  	_ =	shalt  }
0x3f: {  	_ =	shalt  }
0x40: {  	_ =	shalt  }
0x41: {  	_ =	shalt  }
0x42: {  	_ =	shalt  }
0x43: {  	_ =	shalt  }
0x44: {  	_ =	shalt  }
0x45: {  	_ =	shalt  }
0x46: {  	_ =	shalt  }
0x47: {  	_ =	shalt  }
0x48: {  	_ =	shalt  }
0x49: {  	_ =	shalt  }
0x4a: {  	_ =	shalt  }
0x4b: {  	_ =	shalt  }
0x4c: {  	_ =	shalt  }
0x4d: {  	_ =	shalt  }
0x4e: {  	_ =	shalt  }
0x4f: {  	_ =	shalt  }
0x50: {  	_ =	shalt  }
0x51: {  	_ =	shalt  }
0x52: {  	_ =	shalt  }
0x53: {  	_ =	shalt  }
0x54: {  	_ =	shalt  }
0x55: {  	_ =	shalt  }
0x56: {  	_ =	shalt  }
0x57: {  	_ =	shalt  }
0x58: {  	_ =	shalt  }
0x59: {  	_ =	shalt  }
0x5a: {  	_ =	shalt  }
0x5b: {  	_ =	shalt  }
0x5c: {  	_ =	shalt  }
0x5d: {  	_ =	shalt  }
0x5e: {  	_ =	shalt  }
0x5f: {  	_ =	shalt  }
0x60: {  	_ =	shalt  }
0x61: {  	_ =	shalt  }
0x62: {  	_ =	shalt  }
0x63: {  	_ =	shalt  }
0x64: {  	_ =	shalt  }
0x65: {  	_ =	shalt  }
0x66: {  	_ =	shalt  }
0x67: {  	_ =	shalt  }
0x68: {  	_ =	shalt  }
0x69: {  	_ =	shalt  }
0x6a: {  	_ =	shalt  }
0x6b: {  	_ =	shalt  }
0x6c: {  	_ =	shalt  }
0x6d: {  	_ =	shalt  }
0x6e: {  	_ =	shalt  }
0x6f: {  	_ =	shalt  }
0x70: {  	_ =	shalt  }
0x71: {  	_ =	shalt  }
0x72: {  	_ =	shalt  }
0x73: {  	_ =	shalt  }
0x74: {  	_ =	shalt  }
0x75: {  	_ =	shalt  }
0x76: {  	_ =	shalt  }
0x77: {  	_ =	shalt  }
0x78: {  	_ =	shalt  }
0x79: {  	_ =	shalt  }
0x7a: {  	_ =	shalt  }
0x7b: {  	_ =	shalt  }
0x7c: {  	_ =	shalt  }
0x7d: {  	_ =	shalt  }
0x7e: {  	_ =	shalt  }
0x7f: {  	_ =	shalt  }
0x80: {  	_ =	shalt  }
0x81: {  	_ =	shalt  }
0x82: {  	_ =	shalt  }
0x83: {  	_ =	shalt  }
0x84: {  	_ =	shalt  }
0x85: {  	_ =	shalt  }
0x86: {  	_ =	shalt  }
0x87: {  	_ =	shalt  }
.Lfunc_end0:
.L_simem_size_0:
called_computation_lowered:
.L_overlay_start_0:
0x88: {  	s2 =	sld [smem:$0x3FD9]  }
0x89: {  	s3 =	sld [smem:$0x3FFE];
	_ =	sdelay $0x1  }
0x8a: {  	s1 =	srdreg.scid  }
0x8b: {  	s0 =	sand.u32 $0x1, s1  }
0x8c: {  	s17 =	sshll.u32 s0, $0xA;
	s2 =	sadd.s32 s3, s2  }
0x8d: {  	s2 =	sadd.s32 s2, s17  }
0x8e: {  	[smem:$0x3FBC] =	sst s2  }
0x8f: {  	_ = 	snop  }
0x90: {  	s2 =	sld [smem:$0x3FC9]  }
0x91: {  	s18 =	sld [smem:$0x3FC8];
	(tm) =	ssettm $0x1  }
0x92: {  	s4 =	sld [smem:$0x3FFB];
	_ =	sdelay $0x3  }
0x93: {  	_ =	strace s4  }
0x94: {  	s4 =	sld [smem:$0x3FFC];
	_ =	sdelay $0x3  }
0x95: {  	_ =	strace s4  }
0x96: {  	s4 =	sld [smem:$0x3FFD];
	_ =	sdelay $0x3  }
0x97: {  	_ =	strace s4  }
0x98: {  	_ =	strace $0x8FFFFFFF  }
0x99: {  	s19 =	sld [smem:$0x3FDB];
	_ =	sdelay $0x1  }
0x9a: {  	s5 =	simm.s32 $_scs_section_size  }
0x9b: {  	s6 =	simm.s32 $_size__tile_overlayer_lowered;
	s7 =	simm.s32 $_tile_overlayer_lowered  }
0x9c: {  	s22 =	simm.s32 $0x1BFF;
	s21 =	sshll.u32 s7, $0x1;
	s4 =	sadd.s32 s5, s19  }
0x9d: {  	s8 =	simm.s32 $0x0;
	s20 =	sshll.u32 s6, $0x1;
	s6 =	sadd.s32 s21, s4  }
0x9e: {  	[timem:s8], [sflag:s22] =	dma.local [hbm:s6], s20  }
0x9f: {  	_ =	swait.ge [sflag:s22], s20  }
0xa0: {  	s5 =	ssub.s32 $0x0, s20;
	[sflag:s22] =	ssyncset.done $0x0  }
0xa1: {  	[sflag:s22] =	ssyncadd.s32 s5;
	_ =	sdelay $0x1  }
0xa2: {  	s23 =	simm.s32 $0x1B8B  }
0xa3: {  	_ =	swait.ge [sflag:s23], $0x1  }
0xa4: {  	[sflag:s23] =	ssyncset.done $0x0  }
0xa5: {  	s25 =	simm.s32 $0x1B8E;
	s24 =	sld [smem:$0x3FFE];
	[sflag:s23] =	ssyncadd.s32 $0xFFFFFFFF  }
0xa6: {  	s26 =	simm.s32 $execute0_lowered;
	[smem:$0x3FD2] =	sst s25  }
0xa7: {  	s6 =	sshll.u32 s26, $0x1;
	_ =	strace $0x80000046;
	[dreg:$0x1] =	wrdreg $0xFFFFFFFF  }
0xa8: {  	s28 =	simm.s32 $_size_execute0_lowered;
	s4 =	sadd.s32 s4, s6;
	[dreg:$0x0] =	wrdreg $0x0  }
0xa9: {  	s6 =	sshll.u32 s28, $0x1;
	[dreg:$0x2] =	wrdreg s4  }
0xaa: {  	[dreg:$0x3] =	wrdreg s6  }
0xab: {  	[dreg:$0x4] =	wrdreg $0xC0  }
0xac: {  	_ =	task [dreg:s8], $0x5FFFF  }
0xad: {  	[dreg:$0x1] =	wrdreg $0xFFFFFFFF  }
0xae: {  	[dreg:$0x0] =	wrdreg $0x60  }
0xaf: {  	[dreg:$0x2] =	wrdreg s2  }
0xb0: {  	[dreg:$0x3] =	wrdreg s18  }
0xb1: {  	[dreg:$0x4] =	wrdreg s24  }
0xb2: {  	[dreg:$0x5] =	wrdreg $0x9  }
0xb3: {  	_ =	task.clear_ibuf [dreg:s8], $0x6FFFF;
	_ =	strace $0x90000046  }
0xb4: {  	s29 =	simm.s32 $0x9;
	_ =	strace $0x80000048  }
0xb5: {  	_ =	swait.ge [sflag:s29], $0x1  }
0xb6: {  	[sflag:s29] =	ssyncadd.s32 $0xFFFFFFFF  }
0xb7: {  	_ =	strace $0x90000048  }
0xb8: {  	_ =	sfence  }
0xb9: {  	s30 =	sld [smem:$0x0];
	_ =	sdelay $0x2  }
0xba: {  	s31 =	sshll.u32 s1, $0xD;
	s1 =	sshrl.u32 s1, $0x2  }
0xbb: {  	s3 =	sand.u32 $0x4000, s31;
	s1 =	sadd.s32 s1, s30  }
0xbc: {  	s0 =	sor.u32 s3, s0;
	s1 =	sshll.u32 s1, $0x11  }
0xbd: {  	s0 =	sor.u32 s1, s0  }
0xbe: {  	s0 =	sadd.s32 $0x8F2B, s0  }
0xbf: {  	[sflag:s0] =	ssyncadd.remote.s32 $0x1  }
0xc0: {  	_ =	sfence.sel $0xFFFF  }
0xc1: {  	[dreg:$0x0] =	wrdreg $0xFFFFFFFF;
	(pc) =	sbr.abs _section_cstart, $3  }
0xc2: {  	[dreg:$0x1] =	wrdreg $0xFFFFFFFF  }
0xc3: {  	_ =	task.clear_ibuf [dreg:s8], $0x2FFFF;
	_ =	strace $0x9FFFFFFF  }
0xc4: {  	(tm) =	ssettm $0x7FFFFFFF  }
0xc5: {  	_ =	shalt  }
tec
execute0_lowered:
.L_overlay_start_1:
0x0: {  	(tag) =	ssettag $0x1  }
0x1: {  	s5 =	rddreg [dreg:$0x0]  }
0x2: {  	s7 =	rddreg [dreg:$0x1]  }
0x3: {  	s6 =	rddreg [dreg:$0x2]  }
0x4: {  	s0 =	rddreg [dreg:$0x3];
	s2 =	simm.s32 $0x0;
	s3 =	srdreg.scid  }
0x5: {  	s1 =	stileid.u32;
	s12 =	simm.s32 $0x400;
	s13 =	simm.s32 $0x1  }
0x6: {  	[smem:$0x7FF] =	sst s2;
	s4 =	sand.u32 $0x1, s3;
	s8 =	sshll.u32 s1, $0xA  }
0x7: {  	s3 =	sadd.s32 $0xF44400, s6;
	s9 =	sshll.u32 s4, $0x9;
	s31 =	ssub.s32 $0x2, s4  }
0x8: {  	_ =	strace $0x80000047;
	s8 =	sor.u32 s9, s8;
	s11 =	sshrl.u32 s31, $0x1  }
0x9: {  	s4 =	sadd.s32 $0x188A00, s6;
	s10 =	sshll.u32 s8, $0x4;
	s9 =	ssub.s32 s31, s11  }
0xa: {  	s8 =	sshrl.u32 s8, $0x3;
	s11 =	simm.s32 $0x200;
	s10 =	sadd.s32 s10, s6  }
0xb: {  	s5 =	sadd.s32 s5, s8;
	s7 =	sadd.s32 s7, s8;
	s9 =	smax.u32 s9, $0x1  }
0xc: {  	s6 =	sadd.s32 $0x2000, s10;
	s8 =	sadd.s32 $0x42000, s10;
	s10 =	simm.s32 $0x2  }
.LBB2_1:
0xd: {  	[tilespmem:s2], [sflag:$0x2] =	stream.linear.gather [hbm4b:s5+s2], $0x200, $0x38;
	[tilespmem:$0x10400] =	vst v63  }
0xe: {  	_ =	swait.ge [sflag:s10], $0x200  }
0xf: {  	[sflag:s10] =	ssyncset.done $0x0  }
0x10: {  	[sflag:s10] =	ssyncadd.s32 $0xFFFFFE00  }
0x11: {  	v0 =	vld [tilespmem:$0x0]  }
0x12: {  	v1 =	vld [tilespmem:$0x10]  }
0x13: {  	v2 =	vld [tilespmem:$0x20]  }
0x14: {  	v3 =	vld [tilespmem:$0x30]  }
0x15: {  	v4 =	vld [tilespmem:$0x40]  }
0x16: {  	v5 =	vld [tilespmem:$0x50];
	v0 =	vshra.s32 v0, $0x1  }
0x17: {  	v58 =	vld [tilespmem:$0x60];
	v57 =	vshra.s32 v1, $0x1;
	[tilespmem:$0x200] =	vst v0  }
0x18: {  	v60 =	vld [tilespmem:$0x70];
	v59 =	vshra.s32 v2, $0x1;
	[tilespmem:$0x210] =	vst v57  }
0x19: {  	v62 =	vld [tilespmem:$0x80];
	v61 =	vshra.s32 v3, $0x1;
	[tilespmem:$0x220] =	vst v59  }
0x1a: {  	v8 =	vld [tilespmem:$0x90];
	v63 =	vshra.s32 v4, $0x1;
	[tilespmem:$0x230] =	vst v61  }
0x1b: {  	v10 =	vld [tilespmem:$0xA0];
	v9 =	vshra.s32 v5, $0x1;
	[tilespmem:$0x240] =	vst v63  }
0x1c: {  	v12 =	vld [tilespmem:$0xB0];
	v11 =	vshra.s32 v58, $0x1;
	[tilespmem:$0x250] =	vst v9  }
0x1d: {  	v14 =	vld [tilespmem:$0xC0];
	v13 =	vshra.s32 v60, $0x1;
	[tilespmem:$0x260] =	vst v11  }
0x1e: {  	v16 =	vld [tilespmem:$0xD0];
	v15 =	vshra.s32 v62, $0x1;
	[tilespmem:$0x270] =	vst v13  }
0x1f: {  	v18 =	vld [tilespmem:$0xE0];
	v17 =	vshra.s32 v8, $0x1;
	[tilespmem:$0x280] =	vst v15  }
0x20: {  	v20 =	vld [tilespmem:$0xF0];
	v19 =	vshra.s32 v10, $0x1;
	[tilespmem:$0x290] =	vst v17  }
0x21: {  	v22 =	vld [tilespmem:$0x100];
	v21 =	vshra.s32 v12, $0x1;
	[tilespmem:$0x2A0] =	vst v19  }
0x22: {  	v24 =	vld [tilespmem:$0x110];
	v23 =	vshra.s32 v14, $0x1;
	[tilespmem:$0x2B0] =	vst v21  }
0x23: {  	v26 =	vld [tilespmem:$0x120];
	v25 =	vshra.s32 v16, $0x1;
	[tilespmem:$0x2C0] =	vst v23  }
0x24: {  	v28 =	vld [tilespmem:$0x130];
	v27 =	vshra.s32 v18, $0x1;
	[tilespmem:$0x2D0] =	vst v25  }
0x25: {  	v30 =	vld [tilespmem:$0x140];
	v29 =	vshra.s32 v20, $0x1;
	[tilespmem:$0x2E0] =	vst v27  }
0x26: {  	v32 =	vld [tilespmem:$0x150];
	v31 =	vshra.s32 v22, $0x1;
	[tilespmem:$0x2F0] =	vst v29  }
0x27: {  	v34 =	vld [tilespmem:$0x160];
	v33 =	vshra.s32 v24, $0x1;
	[tilespmem:$0x300] =	vst v31  }
0x28: {  	v36 =	vld [tilespmem:$0x170];
	v35 =	vshra.s32 v26, $0x1;
	[tilespmem:$0x310] =	vst v33  }
0x29: {  	v38 =	vld [tilespmem:$0x180];
	v37 =	vshra.s32 v28, $0x1;
	[tilespmem:$0x320] =	vst v35  }
0x2a: {  	v40 =	vld [tilespmem:$0x190];
	v39 =	vshra.s32 v30, $0x1;
	[tilespmem:$0x330] =	vst v37  }
0x2b: {  	v42 =	vld [tilespmem:$0x1A0];
	v41 =	vshra.s32 v32, $0x1;
	[tilespmem:$0x340] =	vst v39  }
0x2c: {  	v44 =	vld [tilespmem:$0x1B0];
	v43 =	vshra.s32 v34, $0x1;
	[tilespmem:$0x350] =	vst v41  }
0x2d: {  	v46 =	vld [tilespmem:$0x1C0];
	v45 =	vshra.s32 v36, $0x1;
	[tilespmem:$0x360] =	vst v43  }
0x2e: {  	v48 =	vld [tilespmem:$0x1D0];
	v47 =	vshra.s32 v38, $0x1;
	[tilespmem:$0x370] =	vst v45  }
0x2f: {  	v50 =	vld [tilespmem:$0x1E0];
	v49 =	vshra.s32 v40, $0x1;
	[tilespmem:$0x380] =	vst v47  }
0x30: {  	v52 =	vld [tilespmem:$0x1F0];
	v51 =	vshra.s32 v42, $0x1;
	[tilespmem:$0x390] =	vst v49  }
0x31: {  	v53 =	vshra.s32 v44, $0x1;
	[tilespmem:$0x3A0] =	vst v51  }
0x32: {  	v54 =	vshra.s32 v46, $0x1;
	[tilespmem:$0x3B0] =	vst v53  }
0x33: {  	v55 =	vshra.s32 v48, $0x1;
	[tilespmem:$0x3C0] =	vst v54  }
0x34: {  	v56 =	vshra.s32 v50, $0x1;
	[tilespmem:$0x3D0] =	vst v55  }
0x35: {  	[tilespmem:$0x3E0] =	vst v56;
	v57 =	vshra.s32 v52, $0x1  }
0x36: {  	[tilespmem:$0x3F0] =	vst v57  }
0x37: {  	[tilespmem:s12], [sflag:$0x1] =	stream.indirect.gather [hbm4b:s3+s11], $0x80, s11, s11, $0xb8;
	[tilespmem:$0x10400] =	vst v63  }
0x38: {  	_ =	swait.ge [sflag:s13], $0x10000  }
0x39: {  	[sflag:s13] =	ssyncset.done $0x0  }
0x3a: {  	[sflag:s13] =	ssyncadd.s32 $0xFFFF0000  }
0x3b: {  	[hbm4b:s6+s2] =	stream.linear.scatter [tilespmem:s12], [sflag:$0x2], $0x10000, $0x38;
	[tilespmem:$0x10400] =	vst v63  }
0x3c: {  	_ =	swait.ge [sflag:s10], $0x10000  }
0x3d: {  	[sflag:s10] =	ssyncset.done $0x0  }
0x3e: {  	[sflag:s10] =	ssyncadd.s32 $0xFFFF0000  }
0x3f: {  	[tilespmem:s2], [sflag:$0x2] =	stream.linear.gather [hbm4b:s7+s2], $0x200, $0x38;
	[tilespmem:$0x10400] =	vst v63  }
0x40: {  	_ =	swait.ge [sflag:s10], $0x200  }
0x41: {  	[sflag:s10] =	ssyncset.done $0x0  }
0x42: {  	[sflag:s10] =	ssyncadd.s32 $0xFFFFFE00  }
0x43: {  	v58 =	vld [tilespmem:$0x0]  }
0x44: {  	v59 =	vld [tilespmem:$0x10]  }
0x45: {  	v60 =	vld [tilespmem:$0x20]  }
0x46: {  	v61 =	vld [tilespmem:$0x30]  }
0x47: {  	v62 =	vld [tilespmem:$0x40]  }
0x48: {  	v63 =	vld [tilespmem:$0x50];
	v0 =	vshra.s32 v58, $0x1  }
0x49: {  	v8 =	vld [tilespmem:$0x60];
	v7 =	vshra.s32 v59, $0x1;
	[tilespmem:$0x200] =	vst v0  }
0x4a: {  	v10 =	vld [tilespmem:$0x70];
	v9 =	vshra.s32 v60, $0x1;
	[tilespmem:$0x210] =	vst v7  }
0x4b: {  	v12 =	vld [tilespmem:$0x80];
	v11 =	vshra.s32 v61, $0x1;
	[tilespmem:$0x220] =	vst v9  }
0x4c: {  	v14 =	vld [tilespmem:$0x90];
	v13 =	vshra.s32 v62, $0x1;
	[tilespmem:$0x230] =	vst v11  }
0x4d: {  	v16 =	vld [tilespmem:$0xA0];
	v15 =	vshra.s32 v63, $0x1;
	[tilespmem:$0x240] =	vst v13  }
0x4e: {  	v18 =	vld [tilespmem:$0xB0];
	v17 =	vshra.s32 v8, $0x1;
	[tilespmem:$0x250] =	vst v15  }
0x4f: {  	v20 =	vld [tilespmem:$0xC0];
	v19 =	vshra.s32 v10, $0x1;
	[tilespmem:$0x260] =	vst v17  }
0x50: {  	v22 =	vld [tilespmem:$0xD0];
	v21 =	vshra.s32 v12, $0x1;
	[tilespmem:$0x270] =	vst v19  }
0x51: {  	v24 =	vld [tilespmem:$0xE0];
	v23 =	vshra.s32 v14, $0x1;
	[tilespmem:$0x280] =	vst v21  }
0x52: {  	v26 =	vld [tilespmem:$0xF0];
	v25 =	vshra.s32 v16, $0x1;
	[tilespmem:$0x290] =	vst v23  }
0x53: {  	v28 =	vld [tilespmem:$0x100];
	v27 =	vshra.s32 v18, $0x1;
	[tilespmem:$0x2A0] =	vst v25  }
0x54: {  	v30 =	vld [tilespmem:$0x110];
	v29 =	vshra.s32 v20, $0x1;
	[tilespmem:$0x2B0] =	vst v27  }
0x55: {  	v32 =	vld [tilespmem:$0x120];
	v31 =	vshra.s32 v22, $0x1;
	[tilespmem:$0x2C0] =	vst v29  }
0x56: {  	v34 =	vld [tilespmem:$0x130];
	v33 =	vshra.s32 v24, $0x1;
	[tilespmem:$0x2D0] =	vst v31  }
0x57: {  	v36 =	vld [tilespmem:$0x140];
	v35 =	vshra.s32 v26, $0x1;
	[tilespmem:$0x2E0] =	vst v33  }
0x58: {  	v38 =	vld [tilespmem:$0x150];
	v37 =	vshra.s32 v28, $0x1;
	[tilespmem:$0x2F0] =	vst v35  }
0x59: {  	v40 =	vld [tilespmem:$0x160];
	v39 =	vshra.s32 v30, $0x1;
	[tilespmem:$0x300] =	vst v37  }
0x5a: {  	v42 =	vld [tilespmem:$0x170];
	v41 =	vshra.s32 v32, $0x1;
	[tilespmem:$0x310] =	vst v39  }
0x5b: {  	v44 =	vld [tilespmem:$0x180];
	v43 =	vshra.s32 v34, $0x1;
	[tilespmem:$0x320] =	vst v41  }
0x5c: {  	v46 =	vld [tilespmem:$0x190];
	v45 =	vshra.s32 v36, $0x1;
	[tilespmem:$0x330] =	vst v43  }
0x5d: {  	v48 =	vld [tilespmem:$0x1A0];
	v47 =	vshra.s32 v38, $0x1;
	[tilespmem:$0x340] =	vst v45  }
0x5e: {  	v50 =	vld [tilespmem:$0x1B0];
	v49 =	vshra.s32 v40, $0x1;
	[tilespmem:$0x350] =	vst v47  }
0x5f: {  	v52 =	vld [tilespmem:$0x1C0];
	v51 =	vshra.s32 v42, $0x1;
	[tilespmem:$0x360] =	vst v49  }
0x60: {  	v54 =	vld [tilespmem:$0x1D0];
	v53 =	vshra.s32 v44, $0x1;
	[tilespmem:$0x370] =	vst v51  }
0x61: {  	v56 =	vld [tilespmem:$0x1E0];
	v55 =	vshra.s32 v46, $0x1;
	[tilespmem:$0x380] =	vst v53  }
0x62: {  	v57 =	vshra.s32 v48, $0x1;
	v58 =	vld [tilespmem:$0x1F0];
	[tilespmem:$0x390] =	vst v55  }
0x63: {  	v59 =	vshra.s32 v50, $0x1;
	[tilespmem:$0x3A0] =	vst v57  }
0x64: {  	v60 =	vshra.s32 v52, $0x1;
	[tilespmem:$0x3B0] =	vst v59  }
0x65: {  	v61 =	vshra.s32 v54, $0x1;
	[tilespmem:$0x3C0] =	vst v60  }
0x66: {  	v62 =	vshra.s32 v56, $0x1;
	[tilespmem:$0x3D0] =	vst v61  }
0x67: {  	[tilespmem:$0x3E0] =	vst v62;
	v63 =	vshra.s32 v58, $0x1  }
0x68: {  	[tilespmem:$0x3F0] =	vst v63  }
0x69: {  	[tilespmem:s12], [sflag:$0x1] =	stream.indirect.gather [hbm4b:s4+s11], $0x80, s11, s11, $0xb8;
	[tilespmem:$0x10400] =	vst v63  }
0x6a: {  	_ =	swait.ge [sflag:s13], $0x10000  }
0x6b: {  	p0 =	sne.s32 s9, $0x1;
	[sflag:s13] =	ssyncset.done $0x0  }
.Ltmp0:
0x6c: {  	[sflag:s13] =	ssyncadd.s32 $0xFFFF0000;
	(pc) =	sbr.rel @p0 .LBB2_1-.Ltmp0, $4  }
0x6d: {  	[hbm4b:s8+s2] =	stream.linear.scatter [tilespmem:s12], [sflag:$0x2], $0x10000, $0x38;
	[tilespmem:$0x10400] =	vst v63  }
0x6e: {  	_ =	swait.ge [sflag:s10], $0x10000  }
0x6f: {  	[sflag:s10] =	ssyncset.done $0x0  }
0x70: {  	s9 =	sadd.s32 $0xFFFFFFFF, s9;
	[sflag:s10] =	ssyncadd.s32 $0xFFFF0000  }
0x71: {  	_ =	sfence.sel $0x180000  }
0x72: {  	[bflag:$0x0] =	sbarrier.arrive $0xFFFF  }
0x73: {  	p0 =	sne.s32 s1, $0x0;
	_ =	strace $0x90000047  }
0x74: {  	s0 =	sadd.s32 @!p0 $0x100000, s0;
	[bflag:$0x2] =	sbarrier.arrive $0xFFFF  }
0x75: {  	[sflag:s0] =	ssyncadd.tile.s32 @!p0 $0x1;
	_ =	shalt  }
.Lfunc_end2:
_tile_overlayer_lowered:
.L_overlay_start_2:
0x76: {  	(tag) =	ssettag $0x2  }
0x77: {  	s0 =	rddreg [dreg:$0x0];
	s2 =	stileid.u32  }
0x78: {  	s1 =	rddreg [dreg:$0x1];
	p0 =	sne.s32 s2, $0x0  }
0x79: {  	s3 =	rddreg [dreg:$0x2];
	[bflag:$0x3] =	sbarrier.arrive $0xFFFF;
	s2 =	simm.s32 @!p0 $0x1C02  }
0x7a: {  	[timem:s3], [sflag:s2] =	dma.local @!p0 [hbm:s0], s1  }
0x7b: {  	s0 =	simm.s32 @!p0 $0x2  }
0x7c: {  	_ =	swait.ge @!p0 [sflag:s0], s1  }
0x7d: {  	s1 =	ssub.s32 @!p0 $0x0, s1;
	[sflag:s0] =	ssyncset.done @!p0 $0x0  }
0x7e: {  	[sflag:s0] =	ssyncadd.s32 @!p0 s1  }
0x7f: {  	[bflag:$0x3] =	sbarrier.arrive $0xFFFF  }
0x80: {  	_ =	shalt  }

</sc_bundles>
